<compile_context>
chip_gen: v7x
topology: tpu7x:2x2x1
jax: 0.10.2.dev20260603
libtpu: 0.0.44.dev20260713+nightly
codegen_flags: <defaults>
</compile_context>

<pallas_src>
import functools

import jax
import jax.numpy as jnp
from jax import lax
from jax.experimental import pallas as pl
from jax.experimental.pallas import tpu as pltpu
from jax.experimental.pallas import tpu_sc as plsc

D = 128
TPAD = 128
N_ATOMS = 100000
NC, NS = 2, 16
NW = NC * NS
B_PAD = 100352
B_PER_W = B_PAD // NW
CHUNK = 392
NCHUNK = B_PER_W // CHUNK



def _table_body(nuc_ref, elec_ref, we_ref, wf_ref, b_ref, out_ref):
    combined = nuc_ref[...] + jnp.dot(
        elec_ref[...], we_ref[...], preferred_element_type=jnp.float32)
    h = jnp.dot(combined, wf_ref[...],
                preferred_element_type=jnp.float32) + b_ref[...]
    out_ref[...] = h * jax.nn.sigmoid(h)


def _fused_table(nuc_p, elec_p, we_p, wf, b2):
    return pl.pallas_call(
        _table_body,
        out_shape=jax.ShapeDtypeStruct((TPAD, D), jnp.float32),
    )(nuc_p, elec_p, we_p, wf, b2)



_MESH = plsc.VectorSubcoreMesh(core_axis_name="c", subcore_axis_name="s")


@functools.partial(
    pl.kernel,
    mesh=_MESH,
    out_type=jax.ShapeDtypeStruct((B_PAD, D), jnp.float32),
    scratch_types=[
        pltpu.VMEM((B_PER_W,), jnp.int32),
        pltpu.VMEM((CHUNK, D), jnp.float32),
        pltpu.SemaphoreType.DMA,
    ],
)
def _gather_rows(table_hbm, idx_hbm, out_hbm, idx_v, rows_v, sem):
    wid = lax.axis_index("s") * NC + lax.axis_index("c")
    base = wid * B_PER_W
    pltpu.sync_copy(idx_hbm.at[pl.ds(base, B_PER_W)], idx_v)
    for g in range(NCHUNK):
        pltpu.async_copy(
            table_hbm.at[idx_v.at[pl.ds(g * CHUNK, CHUNK)]], rows_v, sem
        ).wait()
        pltpu.sync_copy(rows_v, out_hbm.at[pl.ds(base + g * CHUNK, CHUNK)])



def kernel(atom_types, elec_features, nuclear_table, W_elec, W_final, b_final):
    elec_dim = elec_features.shape[1]
    nrows = nuclear_table.shape[0]
    nuc_p = jnp.zeros((TPAD, D), jnp.float32).at[:nrows].set(nuclear_table)
    elec_p = jnp.zeros((TPAD, D), jnp.float32).at[:nrows, :elec_dim].set(
        elec_features)
    we_p = jnp.zeros((D, D), jnp.float32).at[:elec_dim].set(W_elec)
    b2 = b_final.reshape(1, D)

    table = _fused_table(nuc_p, elec_p, we_p, W_final, b2)

    idx_p = jnp.pad(atom_types.astype(jnp.int32), (0, B_PAD - N_ATOMS))
    out_p = _gather_rows(table, idx_p)
    return out_p[:N_ATOMS]

# --- scband reference (transcript-rebuilt; emitter-appended) ---
"""Pipeline reference for scband-mask-generator-net-3667902071161 (READ-ONLY COPY).

The authoritative reference and input builder live on the scoring server;
editing this copy changes nothing except your own understanding.
"""

import jax, jax.numpy as jnp
import numpy as np

EMBED_DIM = 128
MAX_Z = 100
N_ATOMS = 100000

_ELEC_BASE = [
 [0,0,0,0,0,0,0,0,0,0,0,0,0,0,0,0],
 [0,1,0,0,0,0,0,0,0,0,0,0,0,0,0,0],
 [2,0,0,0,0,0,0,0,0,0,0,0,0,0,0,0],
 [2,0,0,1,0,0,0,0,0,0,0,0,0,0,0,0],
 [2,0,2,0,0,0,0,0,0,0,0,0,0,0,0,0],
 [2,0,2,0,0,1,0,0,0,0,0,0,0,0,0,0],
 [2,0,2,0,0,2,0,0,0,0,0,0,0,0,0,0],
 [2,0,2,0,0,3,0,0,0,0,0,0,0,0,0,0],
 [2,0,2,0,2,2,0,0,0,0,0,0,0,0,0,0],
 [2,0,2,0,4,1,0,0,0,0,0,0,0,0,0,0],
 [2,0,2,0,6,0,0,0,0,0,0,0,0,0,0,0],
 [2,0,2,0,6,0,0,1,0,0,0,0,0,0,0,0],
 [2,0,2,0,6,0,2,0,0,0,0,0,0,0,0,0],
 [2,0,2,0,6,0,2,0,0,1,0,0,0,0,0,0],
 [2,0,2,0,6,0,2,0,0,2,0,0,0,0,0,0],
 [2,0,2,0,6,0,2,0,0,3,0,0,0,0,0,0],
 [2,0,2,0,6,0,2,0,2,2,0,0,0,0,0,0],
 [2,0,2,0,6,0,2,0,4,1,0,0,0,0,0,0],
 [2,0,2,0,6,0,2,0,6,0,0,0,0,0,0,0],
 [2,0,2,0,6,0,2,0,6,0,0,1,0,0,0,0],
 [2,0,2,0,6,0,2,0,6,0,2,0,0,0,0,0],
 [2,0,2,0,6,0,2,0,6,0,2,0,0,1,0,0],
 [2,0,2,0,6,0,2,0,6,0,2,0,0,2,0,0],
 [2,0,2,0,6,0,2,0,6,0,2,0,0,3,0,0],
 [2,0,2,0,6,0,2,0,6,0,0,1,0,5,0,0],
 [2,0,2,0,6,0,2,0,6,0,2,0,0,5,0,0],
 [2,0,2,0,6,0,2,0,6,0,2,0,2,4,0,0],
 [2,0,2,0,6,0,2,0,6,0,2,0,4,3,0,0],
 [2,0,2,0,6,0,2,0,6,0,2,0,6,2,0,0],
 [2,0,2,0,6,0,2,0,6,0,0,1,10,0,0,0],
 [2,0,2,0,6,0,2,0,6,0,2,0,10,0,0,0],
 [2,0,2,0,6,0,2,0,6,0,2,0,10,0,0,1],
 [2,0,2,0,6,0,2,0,6,0,2,0,10,0,0,2],
 [2,0,2,0,6,0,2,0,6,0,2,0,10,0,0,3],
 [2,0,2,0,6,0,2,0,6,0,2,0,10,0,2,2],
 [2,0,2,0,6,0,2,0,6,0,2,0,10,0,4,1],
 [2,0,2,0,6,0,2,0,6,0,2,0,10,0,6,0],
]

def get_elec_feature(max_z):
    base = np.array(_ELEC_BASE, dtype=np.float32)
    full = np.zeros((max_z + 1, base.shape[1]), dtype=np.float32)
    full[:base.shape[0], :] = base
    m = full.max()
    if m > 0:
        full = full / m
    return jnp.asarray(full)


def setup_inputs(seed: int = 0) -> dict:
    key = jax.random.key(seed)
    k1, k2, k3, k4, k5 = jax.random.split(key, 5)
    atom_types = jax.random.randint(k1, (N_ATOMS,), 0, 100)
    elec_features = get_elec_feature(MAX_Z)  # [101, 16]
    elec_dim = elec_features.shape[1]
    nuclear_table = jax.random.normal(k2, (MAX_Z + 1, EMBED_DIM), dtype=jnp.float32)
    # xavier-uniform-like init for linear weights (stored as [in, out] for x @ W)
    lim_e = float(np.sqrt(6.0 / (elec_dim + EMBED_DIM)))
    W_elec = jax.random.uniform(k3, (elec_dim, EMBED_DIM), minval=-lim_e, maxval=lim_e, dtype=jnp.float32)
    lim_f = float(np.sqrt(6.0 / (EMBED_DIM + EMBED_DIM)))
    W_final = jax.random.uniform(k4, (EMBED_DIM, EMBED_DIM), minval=-lim_f, maxval=lim_f, dtype=jnp.float32)
    b_final = jnp.zeros((EMBED_DIM,), dtype=jnp.float32)
    return {
        "atom_types": atom_types,
        "elec_features": elec_features,
        "nuclear_table": nuclear_table,
        "W_elec": W_elec,
        "W_final": W_final,
        "b_final": b_final,
    }


def reference(atom_types, elec_features, nuclear_table, W_elec, W_final, b_final):
    # nuclear embedding lookup (gather)
    nuclear_feat = jnp.take(nuclear_table, atom_types, axis=0)  # [N, D]
    # electronic embedding: gather buffer rows then linear (no bias)
    elec_rows = jnp.take(elec_features, atom_types, axis=0)     # [N, 16]
    electronic_feat = elec_rows @ W_elec                         # [N, D]
    combined = nuclear_feat + electronic_feat
    h = combined @ W_final + b_final
    # SiLU activation
    out = h * jax.nn.sigmoid(h)
    return out

if __name__ == "__main__":
    import jax
    _d = setup_inputs()
    print(jax.jit(kernel)(*tuple(_d.values())))

</pallas_src>

<mosaic_0001>
#map = affine_map<(d0, d1) -> (0, 0)>
#map1 = affine_map<(d0, d1) -> (0)>
module attributes {stable_mosaic.version = 14 : i64} {
  func.func @_gather_rows(%arg0: i32, %arg1: i32, %arg2: memref<128x128xf32, #tpu.memory_space<hbm>>, %arg3: memref<100352xi32, #tpu.memory_space<hbm>>, %arg4: memref<100352x128xf32, #tpu.memory_space<hbm>>, %arg5: memref<3136xi32, #tpu.memory_space<vmem>>, %arg6: memref<392x128xf32, #tpu.memory_space<vmem>>, %arg7: memref<!tpu.dma_semaphore, #tpu.memory_space<semaphore_mem>>) attributes {dimension_semantics = [#tpu.dimension_semantics<core_parallel>, #tpu.dimension_semantics<subcore_parallel>], iteration_bounds = array<i64: 2, 16>, scalar_prefetch = 0 : i64, scratch_operands = 3 : i64, tpu.core_type = #tpu.core_type<sc_vector_subcore>, window_params = [{transform_indices = #map}, {transform_indices = #map1}, {transform_indices = #map}]} {
    %mul3A = arith.constant 2 : i32
    %mul3A_0 = arith.muli %arg1, %mul3A : i32
    %add3A = arith.addi %mul3A_0, %arg0 : i32
    %mul3A_1 = arith.constant 3136 : i32
    %mul3A_2 = arith.muli %add3A, %mul3A_1 : i32
    "tpu.region"() ({
      %run_scoped3A = tpu.sem_alloc : memref<!tpu.dma_semaphore, #tpu.memory_space<semaphore_mem>>
      %dma_start3A_97 = tpu.memref_slice %arg3[%mul3A_2] : memref<100352xi32, #tpu.memory_space<hbm>> -> memref<3136xi32, #tpu.memory_space<hbm>>
      %dma_start3A_98 = tpu.memref_slice %arg3[%mul3A_2] : memref<100352xi32, #tpu.memory_space<hbm>> -> memref<3136xi32, #tpu.memory_space<hbm>>
      tpu.enqueue_dma source(%dma_start3A_98 : memref<3136xi32, #tpu.memory_space<hbm>>) target(%arg5 : memref<3136xi32, #tpu.memory_space<vmem>>) target_semaphore(%run_scoped3A : memref<!tpu.dma_semaphore, #tpu.memory_space<semaphore_mem>>)
      %dma_wait3A_99 = tpu.memref_slice %arg3[%mul3A_2] : memref<100352xi32, #tpu.memory_space<hbm>> -> memref<3136xi32, #tpu.memory_space<hbm>>
      %dma_wait3A_100 = tpu.memref_slice %arg3[%mul3A_2] : memref<100352xi32, #tpu.memory_space<hbm>> -> memref<3136xi32, #tpu.memory_space<hbm>>
      tpu.wait_dma2 semaphore(%run_scoped3A : memref<!tpu.dma_semaphore, #tpu.memory_space<semaphore_mem>>) src(%dma_wait3A_100 : memref<3136xi32, #tpu.memory_space<hbm>>) dst(%arg5 : memref<3136xi32, #tpu.memory_space<vmem>>)
      tpu.yield
    }) : () -> ()
    %dma_start3A = arith.constant 0 : i32
    %dma_start3A_3 = tpu.memref_slice %arg5[%dma_start3A] : memref<3136xi32, #tpu.memory_space<vmem>> -> memref<392xi32, #tpu.memory_space<vmem>>
    %dma_start3A_4 = arith.constant 0 : i32
    %dma_start3A_5 = arith.constant 0 : i32
    %dma_start3A_6 = tpu.memref_slice %arg2[%dma_start3A_4, %dma_start3A_5] : memref<128x128xf32, #tpu.memory_space<hbm>> -> memref<128x128xf32, #tpu.memory_space<hbm>>
    tpu.enqueue_indirect_dma source(%dma_start3A_6 : memref<128x128xf32, #tpu.memory_space<hbm>>) target(%arg6 : memref<392x128xf32, #tpu.memory_space<vmem>>) offsets(%dma_start3A_3 : memref<392xi32, #tpu.memory_space<vmem>>) semaphore(%arg7 : memref<!tpu.dma_semaphore, #tpu.memory_space<semaphore_mem>>)
    %dma_wait3A = arith.constant 0 : i32
    %dma_wait3A_7 = tpu.memref_slice %arg5[%dma_wait3A] : memref<3136xi32, #tpu.memory_space<vmem>> -> memref<392xi32, #tpu.memory_space<vmem>>
    %dma_wait3A_8 = arith.constant 0 : i32
    %dma_wait3A_9 = arith.constant 0 : i32
    %dma_wait3A_10 = tpu.memref_slice %arg2[%dma_wait3A_8, %dma_wait3A_9] : memref<128x128xf32, #tpu.memory_space<hbm>> -> memref<128x128xf32, #tpu.memory_space<hbm>>
    tpu.wait_indirect_dma semaphore(%arg7 : memref<!tpu.dma_semaphore, #tpu.memory_space<semaphore_mem>>) src(%dma_wait3A_10 : memref<128x128xf32, #tpu.memory_space<hbm>>) dst(%arg6 : memref<392x128xf32, #tpu.memory_space<vmem>>)
    %add3A_11 = arith.constant 0 : i32
    %add3A_12 = arith.addi %mul3A_2, %add3A_11 : i32
    "tpu.region"() ({
      %run_scoped3A = tpu.sem_alloc : memref<!tpu.dma_semaphore, #tpu.memory_space<semaphore_mem>>
      %dma_start3A_97 = arith.constant 0 : i32
      %dma_start3A_98 = tpu.memref_slice %arg4[%add3A_12, %dma_start3A_97] : memref<100352x128xf32, #tpu.memory_space<hbm>> -> memref<392x128xf32, #tpu.memory_space<hbm>>
      %dma_start3A_99 = arith.constant 0 : i32
      %dma_start3A_100 = tpu.memref_slice %arg4[%add3A_12, %dma_start3A_99] : memref<100352x128xf32, #tpu.memory_space<hbm>> -> memref<392x128xf32, #tpu.memory_space<hbm>>
      tpu.enqueue_dma source(%arg6 : memref<392x128xf32, #tpu.memory_space<vmem>>) target(%dma_start3A_100 : memref<392x128xf32, #tpu.memory_space<hbm>>) target_semaphore(%run_scoped3A : memref<!tpu.dma_semaphore, #tpu.memory_space<semaphore_mem>>)
      %dma_wait3A_101 = arith.constant 0 : i32
      %dma_wait3A_102 = tpu.memref_slice %arg4[%add3A_12, %dma_wait3A_101] : memref<100352x128xf32, #tpu.memory_space<hbm>> -> memref<392x128xf32, #tpu.memory_space<hbm>>
      %dma_wait3A_103 = arith.constant 0 : i32
      %dma_wait3A_104 = tpu.memref_slice %arg4[%add3A_12, %dma_wait3A_103] : memref<100352x128xf32, #tpu.memory_space<hbm>> -> memref<392x128xf32, #tpu.memory_space<hbm>>
      tpu.wait_dma2 semaphore(%run_scoped3A : memref<!tpu.dma_semaphore, #tpu.memory_space<semaphore_mem>>) src(%arg6 : memref<392x128xf32, #tpu.memory_space<vmem>>) dst(%dma_wait3A_104 : memref<392x128xf32, #tpu.memory_space<hbm>>)
      tpu.yield
    }) : () -> ()
    %dma_start3A_13 = arith.constant 392 : i32
    %dma_start3A_14 = tpu.memref_slice %arg5[%dma_start3A_13] : memref<3136xi32, #tpu.memory_space<vmem>> -> memref<392xi32, #tpu.memory_space<vmem>>
    %dma_start3A_15 = arith.constant 0 : i32
    %dma_start3A_16 = arith.constant 0 : i32
    %dma_start3A_17 = tpu.memref_slice %arg2[%dma_start3A_15, %dma_start3A_16] : memref<128x128xf32, #tpu.memory_space<hbm>> -> memref<128x128xf32, #tpu.memory_space<hbm>>
    tpu.enqueue_indirect_dma source(%dma_start3A_17 : memref<128x128xf32, #tpu.memory_space<hbm>>) target(%arg6 : memref<392x128xf32, #tpu.memory_space<vmem>>) offsets(%dma_start3A_14 : memref<392xi32, #tpu.memory_space<vmem>>) semaphore(%arg7 : memref<!tpu.dma_semaphore, #tpu.memory_space<semaphore_mem>>)
    %dma_wait3A_18 = arith.constant 392 : i32
    %dma_wait3A_19 = tpu.memref_slice %arg5[%dma_wait3A_18] : memref<3136xi32, #tpu.memory_space<vmem>> -> memref<392xi32, #tpu.memory_space<vmem>>
    %dma_wait3A_20 = arith.constant 0 : i32
    %dma_wait3A_21 = arith.constant 0 : i32
    %dma_wait3A_22 = tpu.memref_slice %arg2[%dma_wait3A_20, %dma_wait3A_21] : memref<128x128xf32, #tpu.memory_space<hbm>> -> memref<128x128xf32, #tpu.memory_space<hbm>>
    tpu.wait_indirect_dma semaphore(%arg7 : memref<!tpu.dma_semaphore, #tpu.memory_space<semaphore_mem>>) src(%dma_wait3A_22 : memref<128x128xf32, #tpu.memory_space<hbm>>) dst(%arg6 : memref<392x128xf32, #tpu.memory_space<vmem>>)
    %add3A_23 = arith.constant 392 : i32
    %add3A_24 = arith.addi %mul3A_2, %add3A_23 : i32
    "tpu.region"() ({
      %run_scoped3A = tpu.sem_alloc : memref<!tpu.dma_semaphore, #tpu.memory_space<semaphore_mem>>
      %dma_start3A_97 = arith.constant 0 : i32
      %dma_start3A_98 = tpu.memref_slice %arg4[%add3A_24, %dma_start3A_97] : memref<100352x128xf32, #tpu.memory_space<hbm>> -> memref<392x128xf32, #tpu.memory_space<hbm>>
      %dma_start3A_99 = arith.constant 0 : i32
      %dma_start3A_100 = tpu.memref_slice %arg4[%add3A_24, %dma_start3A_99] : memref<100352x128xf32, #tpu.memory_space<hbm>> -> memref<392x128xf32, #tpu.memory_space<hbm>>
      tpu.enqueue_dma source(%arg6 : memref<392x128xf32, #tpu.memory_space<vmem>>) target(%dma_start3A_100 : memref<392x128xf32, #tpu.memory_space<hbm>>) target_semaphore(%run_scoped3A : memref<!tpu.dma_semaphore, #tpu.memory_space<semaphore_mem>>)
      %dma_wait3A_101 = arith.constant 0 : i32
      %dma_wait3A_102 = tpu.memref_slice %arg4[%add3A_24, %dma_wait3A_101] : memref<100352x128xf32, #tpu.memory_space<hbm>> -> memref<392x128xf32, #tpu.memory_space<hbm>>
      %dma_wait3A_103 = arith.constant 0 : i32
      %dma_wait3A_104 = tpu.memref_slice %arg4[%add3A_24, %dma_wait3A_103] : memref<100352x128xf32, #tpu.memory_space<hbm>> -> memref<392x128xf32, #tpu.memory_space<hbm>>
      tpu.wait_dma2 semaphore(%run_scoped3A : memref<!tpu.dma_semaphore, #tpu.memory_space<semaphore_mem>>) src(%arg6 : memref<392x128xf32, #tpu.memory_space<vmem>>) dst(%dma_wait3A_104 : memref<392x128xf32, #tpu.memory_space<hbm>>)
      tpu.yield
    }) : () -> ()
    %dma_start3A_25 = arith.constant 784 : i32
    %dma_start3A_26 = tpu.memref_slice %arg5[%dma_start3A_25] : memref<3136xi32, #tpu.memory_space<vmem>> -> memref<392xi32, #tpu.memory_space<vmem>>
    %dma_start3A_27 = arith.constant 0 : i32
    %dma_start3A_28 = arith.constant 0 : i32
    %dma_start3A_29 = tpu.memref_slice %arg2[%dma_start3A_27, %dma_start3A_28] : memref<128x128xf32, #tpu.memory_space<hbm>> -> memref<128x128xf32, #tpu.memory_space<hbm>>
    tpu.enqueue_indirect_dma source(%dma_start3A_29 : memref<128x128xf32, #tpu.memory_space<hbm>>) target(%arg6 : memref<392x128xf32, #tpu.memory_space<vmem>>) offsets(%dma_start3A_26 : memref<392xi32, #tpu.memory_space<vmem>>) semaphore(%arg7 : memref<!tpu.dma_semaphore, #tpu.memory_space<semaphore_mem>>)
    %dma_wait3A_30 = arith.constant 784 : i32
    %dma_wait3A_31 = tpu.memref_slice %arg5[%dma_wait3A_30] : memref<3136xi32, #tpu.memory_space<vmem>> -> memref<392xi32, #tpu.memory_space<vmem>>
    %dma_wait3A_32 = arith.constant 0 : i32
    %dma_wait3A_33 = arith.constant 0 : i32
    %dma_wait3A_34 = tpu.memref_slice %arg2[%dma_wait3A_32, %dma_wait3A_33] : memref<128x128xf32, #tpu.memory_space<hbm>> -> memref<128x128xf32, #tpu.memory_space<hbm>>
    tpu.wait_indirect_dma semaphore(%arg7 : memref<!tpu.dma_semaphore, #tpu.memory_space<semaphore_mem>>) src(%dma_wait3A_34 : memref<128x128xf32, #tpu.memory_space<hbm>>) dst(%arg6 : memref<392x128xf32, #tpu.memory_space<vmem>>)
    %add3A_35 = arith.constant 784 : i32
    %add3A_36 = arith.addi %mul3A_2, %add3A_35 : i32
    "tpu.region"() ({
      %run_scoped3A = tpu.sem_alloc : memref<!tpu.dma_semaphore, #tpu.memory_space<semaphore_mem>>
      %dma_start3A_97 = arith.constant 0 : i32
      %dma_start3A_98 = tpu.memref_slice %arg4[%add3A_36, %dma_start3A_97] : memref<100352x128xf32, #tpu.memory_space<hbm>> -> memref<392x128xf32, #tpu.memory_space<hbm>>
      %dma_start3A_99 = arith.constant 0 : i32
      %dma_start3A_100 = tpu.memref_slice %arg4[%add3A_36, %dma_start3A_99] : memref<100352x128xf32, #tpu.memory_space<hbm>> -> memref<392x128xf32, #tpu.memory_space<hbm>>
      tpu.enqueue_dma source(%arg6 : memref<392x128xf32, #tpu.memory_space<vmem>>) target(%dma_start3A_100 : memref<392x128xf32, #tpu.memory_space<hbm>>) target_semaphore(%run_scoped3A : memref<!tpu.dma_semaphore, #tpu.memory_space<semaphore_mem>>)
      %dma_wait3A_101 = arith.constant 0 : i32
      %dma_wait3A_102 = tpu.memref_slice %arg4[%add3A_36, %dma_wait3A_101] : memref<100352x128xf32, #tpu.memory_space<hbm>> -> memref<392x128xf32, #tpu.memory_space<hbm>>
      %dma_wait3A_103 = arith.constant 0 : i32
      %dma_wait3A_104 = tpu.memref_slice %arg4[%add3A_36, %dma_wait3A_103] : memref<100352x128xf32, #tpu.memory_space<hbm>> -> memref<392x128xf32, #tpu.memory_space<hbm>>
      tpu.wait_dma2 semaphore(%run_scoped3A : memref<!tpu.dma_semaphore, #tpu.memory_space<semaphore_mem>>) src(%arg6 : memref<392x128xf32, #tpu.memory_space<vmem>>) dst(%dma_wait3A_104 : memref<392x128xf32, #tpu.memory_space<hbm>>)
      tpu.yield
    }) : () -> ()
    %dma_start3A_37 = arith.constant 1176 : i32
    %dma_start3A_38 = tpu.memref_slice %arg5[%dma_start3A_37] : memref<3136xi32, #tpu.memory_space<vmem>> -> memref<392xi32, #tpu.memory_space<vmem>>
    %dma_start3A_39 = arith.constant 0 : i32
    %dma_start3A_40 = arith.constant 0 : i32
    %dma_start3A_41 = tpu.memref_slice %arg2[%dma_start3A_39, %dma_start3A_40] : memref<128x128xf32, #tpu.memory_space<hbm>> -> memref<128x128xf32, #tpu.memory_space<hbm>>
    tpu.enqueue_indirect_dma source(%dma_start3A_41 : memref<128x128xf32, #tpu.memory_space<hbm>>) target(%arg6 : memref<392x128xf32, #tpu.memory_space<vmem>>) offsets(%dma_start3A_38 : memref<392xi32, #tpu.memory_space<vmem>>) semaphore(%arg7 : memref<!tpu.dma_semaphore, #tpu.memory_space<semaphore_mem>>)
    %dma_wait3A_42 = arith.constant 1176 : i32
    %dma_wait3A_43 = tpu.memref_slice %arg5[%dma_wait3A_42] : memref<3136xi32, #tpu.memory_space<vmem>> -> memref<392xi32, #tpu.memory_space<vmem>>
    %dma_wait3A_44 = arith.constant 0 : i32
    %dma_wait3A_45 = arith.constant 0 : i32
    %dma_wait3A_46 = tpu.memref_slice %arg2[%dma_wait3A_44, %dma_wait3A_45] : memref<128x128xf32, #tpu.memory_space<hbm>> -> memref<128x128xf32, #tpu.memory_space<hbm>>
    tpu.wait_indirect_dma semaphore(%arg7 : memref<!tpu.dma_semaphore, #tpu.memory_space<semaphore_mem>>) src(%dma_wait3A_46 : memref<128x128xf32, #tpu.memory_space<hbm>>) dst(%arg6 : memref<392x128xf32, #tpu.memory_space<vmem>>)
    %add3A_47 = arith.constant 1176 : i32
    %add3A_48 = arith.addi %mul3A_2, %add3A_47 : i32
    "tpu.region"() ({
      %run_scoped3A = tpu.sem_alloc : memref<!tpu.dma_semaphore, #tpu.memory_space<semaphore_mem>>
      %dma_start3A_97 = arith.constant 0 : i32
      %dma_start3A_98 = tpu.memref_slice %arg4[%add3A_48, %dma_start3A_97] : memref<100352x128xf32, #tpu.memory_space<hbm>> -> memref<392x128xf32, #tpu.memory_space<hbm>>
      %dma_start3A_99 = arith.constant 0 : i32
      %dma_start3A_100 = tpu.memref_slice %arg4[%add3A_48, %dma_start3A_99] : memref<100352x128xf32, #tpu.memory_space<hbm>> -> memref<392x128xf32, #tpu.memory_space<hbm>>
      tpu.enqueue_dma source(%arg6 : memref<392x128xf32, #tpu.memory_space<vmem>>) target(%dma_start3A_100 : memref<392x128xf32, #tpu.memory_space<hbm>>) target_semaphore(%run_scoped3A : memref<!tpu.dma_semaphore, #tpu.memory_space<semaphore_mem>>)
      %dma_wait3A_101 = arith.constant 0 : i32
      %dma_wait3A_102 = tpu.memref_slice %arg4[%add3A_48, %dma_wait3A_101] : memref<100352x128xf32, #tpu.memory_space<hbm>> -> memref<392x128xf32, #tpu.memory_space<hbm>>
      %dma_wait3A_103 = arith.constant 0 : i32
      %dma_wait3A_104 = tpu.memref_slice %arg4[%add3A_48, %dma_wait3A_103] : memref<100352x128xf32, #tpu.memory_space<hbm>> -> memref<392x128xf32, #tpu.memory_space<hbm>>
      tpu.wait_dma2 semaphore(%run_scoped3A : memref<!tpu.dma_semaphore, #tpu.memory_space<semaphore_mem>>) src(%arg6 : memref<392x128xf32, #tpu.memory_space<vmem>>) dst(%dma_wait3A_104 : memref<392x128xf32, #tpu.memory_space<hbm>>)
      tpu.yield
    }) : () -> ()
    %dma_start3A_49 = arith.constant 1568 : i32
    %dma_start3A_50 = tpu.memref_slice %arg5[%dma_start3A_49] : memref<3136xi32, #tpu.memory_space<vmem>> -> memref<392xi32, #tpu.memory_space<vmem>>
    %dma_start3A_51 = arith.constant 0 : i32
    %dma_start3A_52 = arith.constant 0 : i32
    %dma_start3A_53 = tpu.memref_slice %arg2[%dma_start3A_51, %dma_start3A_52] : memref<128x128xf32, #tpu.memory_space<hbm>> -> memref<128x128xf32, #tpu.memory_space<hbm>>
    tpu.enqueue_indirect_dma source(%dma_start3A_53 : memref<128x128xf32, #tpu.memory_space<hbm>>) target(%arg6 : memref<392x128xf32, #tpu.memory_space<vmem>>) offsets(%dma_start3A_50 : memref<392xi32, #tpu.memory_space<vmem>>) semaphore(%arg7 : memref<!tpu.dma_semaphore, #tpu.memory_space<semaphore_mem>>)
    %dma_wait3A_54 = arith.constant 1568 : i32
    %dma_wait3A_55 = tpu.memref_slice %arg5[%dma_wait3A_54] : memref<3136xi32, #tpu.memory_space<vmem>> -> memref<392xi32, #tpu.memory_space<vmem>>
    %dma_wait3A_56 = arith.constant 0 : i32
    %dma_wait3A_57 = arith.constant 0 : i32
    %dma_wait3A_58 = tpu.memref_slice %arg2[%dma_wait3A_56, %dma_wait3A_57] : memref<128x128xf32, #tpu.memory_space<hbm>> -> memref<128x128xf32, #tpu.memory_space<hbm>>
    tpu.wait_indirect_dma semaphore(%arg7 : memref<!tpu.dma_semaphore, #tpu.memory_space<semaphore_mem>>) src(%dma_wait3A_58 : memref<128x128xf32, #tpu.memory_space<hbm>>) dst(%arg6 : memref<392x128xf32, #tpu.memory_space<vmem>>)
    %add3A_59 = arith.constant 1568 : i32
    %add3A_60 = arith.addi %mul3A_2, %add3A_59 : i32
    "tpu.region"() ({
      %run_scoped3A = tpu.sem_alloc : memref<!tpu.dma_semaphore, #tpu.memory_space<semaphore_mem>>
      %dma_start3A_97 = arith.constant 0 : i32
      %dma_start3A_98 = tpu.memref_slice %arg4[%add3A_60, %dma_start3A_97] : memref<100352x128xf32, #tpu.memory_space<hbm>> -> memref<392x128xf32, #tpu.memory_space<hbm>>
      %dma_start3A_99 = arith.constant 0 : i32
      %dma_start3A_100 = tpu.memref_slice %arg4[%add3A_60, %dma_start3A_99] : memref<100352x128xf32, #tpu.memory_space<hbm>> -> memref<392x128xf32, #tpu.memory_space<hbm>>
      tpu.enqueue_dma source(%arg6 : memref<392x128xf32, #tpu.memory_space<vmem>>) target(%dma_start3A_100 : memref<392x128xf32, #tpu.memory_space<hbm>>) target_semaphore(%run_scoped3A : memref<!tpu.dma_semaphore, #tpu.memory_space<semaphore_mem>>)
      %dma_wait3A_101 = arith.constant 0 : i32
      %dma_wait3A_102 = tpu.memref_slice %arg4[%add3A_60, %dma_wait3A_101] : memref<100352x128xf32, #tpu.memory_space<hbm>> -> memref<392x128xf32, #tpu.memory_space<hbm>>
      %dma_wait3A_103 = arith.constant 0 : i32
      %dma_wait3A_104 = tpu.memref_slice %arg4[%add3A_60, %dma_wait3A_103] : memref<100352x128xf32, #tpu.memory_space<hbm>> -> memref<392x128xf32, #tpu.memory_space<hbm>>
      tpu.wait_dma2 semaphore(%run_scoped3A : memref<!tpu.dma_semaphore, #tpu.memory_space<semaphore_mem>>) src(%arg6 : memref<392x128xf32, #tpu.memory_space<vmem>>) dst(%dma_wait3A_104 : memref<392x128xf32, #tpu.memory_space<hbm>>)
      tpu.yield
    }) : () -> ()
    %dma_start3A_61 = arith.constant 1960 : i32
    %dma_start3A_62 = tpu.memref_slice %arg5[%dma_start3A_61] : memref<3136xi32, #tpu.memory_space<vmem>> -> memref<392xi32, #tpu.memory_space<vmem>>
    %dma_start3A_63 = arith.constant 0 : i32
    %dma_start3A_64 = arith.constant 0 : i32
    %dma_start3A_65 = tpu.memref_slice %arg2[%dma_start3A_63, %dma_start3A_64] : memref<128x128xf32, #tpu.memory_space<hbm>> -> memref<128x128xf32, #tpu.memory_space<hbm>>
    tpu.enqueue_indirect_dma source(%dma_start3A_65 : memref<128x128xf32, #tpu.memory_space<hbm>>) target(%arg6 : memref<392x128xf32, #tpu.memory_space<vmem>>) offsets(%dma_start3A_62 : memref<392xi32, #tpu.memory_space<vmem>>) semaphore(%arg7 : memref<!tpu.dma_semaphore, #tpu.memory_space<semaphore_mem>>)
    %dma_wait3A_66 = arith.constant 1960 : i32
    %dma_wait3A_67 = tpu.memref_slice %arg5[%dma_wait3A_66] : memref<3136xi32, #tpu.memory_space<vmem>> -> memref<392xi32, #tpu.memory_space<vmem>>
    %dma_wait3A_68 = arith.constant 0 : i32
    %dma_wait3A_69 = arith.constant 0 : i32
    %dma_wait3A_70 = tpu.memref_slice %arg2[%dma_wait3A_68, %dma_wait3A_69] : memref<128x128xf32, #tpu.memory_space<hbm>> -> memref<128x128xf32, #tpu.memory_space<hbm>>
    tpu.wait_indirect_dma semaphore(%arg7 : memref<!tpu.dma_semaphore, #tpu.memory_space<semaphore_mem>>) src(%dma_wait3A_70 : memref<128x128xf32, #tpu.memory_space<hbm>>) dst(%arg6 : memref<392x128xf32, #tpu.memory_space<vmem>>)
    %add3A_71 = arith.constant 1960 : i32
    %add3A_72 = arith.addi %mul3A_2, %add3A_71 : i32
    "tpu.region"() ({
      %run_scoped3A = tpu.sem_alloc : memref<!tpu.dma_semaphore, #tpu.memory_space<semaphore_mem>>
      %dma_start3A_97 = arith.constant 0 : i32
      %dma_start3A_98 = tpu.memref_slice %arg4[%add3A_72, %dma_start3A_97] : memref<100352x128xf32, #tpu.memory_space<hbm>> -> memref<392x128xf32, #tpu.memory_space<hbm>>
      %dma_start3A_99 = arith.constant 0 : i32
      %dma_start3A_100 = tpu.memref_slice %arg4[%add3A_72, %dma_start3A_99] : memref<100352x128xf32, #tpu.memory_space<hbm>> -> memref<392x128xf32, #tpu.memory_space<hbm>>
      tpu.enqueue_dma source(%arg6 : memref<392x128xf32, #tpu.memory_space<vmem>>) target(%dma_start3A_100 : memref<392x128xf32, #tpu.memory_space<hbm>>) target_semaphore(%run_scoped3A : memref<!tpu.dma_semaphore, #tpu.memory_space<semaphore_mem>>)
      %dma_wait3A_101 = arith.constant 0 : i32
      %dma_wait3A_102 = tpu.memref_slice %arg4[%add3A_72, %dma_wait3A_101] : memref<100352x128xf32, #tpu.memory_space<hbm>> -> memref<392x128xf32, #tpu.memory_space<hbm>>
      %dma_wait3A_103 = arith.constant 0 : i32
      %dma_wait3A_104 = tpu.memref_slice %arg4[%add3A_72, %dma_wait3A_103] : memref<100352x128xf32, #tpu.memory_space<hbm>> -> memref<392x128xf32, #tpu.memory_space<hbm>>
      tpu.wait_dma2 semaphore(%run_scoped3A : memref<!tpu.dma_semaphore, #tpu.memory_space<semaphore_mem>>) src(%arg6 : memref<392x128xf32, #tpu.memory_space<vmem>>) dst(%dma_wait3A_104 : memref<392x128xf32, #tpu.memory_space<hbm>>)
      tpu.yield
    }) : () -> ()
    %dma_start3A_73 = arith.constant 2352 : i32
    %dma_start3A_74 = tpu.memref_slice %arg5[%dma_start3A_73] : memref<3136xi32, #tpu.memory_space<vmem>> -> memref<392xi32, #tpu.memory_space<vmem>>
    %dma_start3A_75 = arith.constant 0 : i32
    %dma_start3A_76 = arith.constant 0 : i32
    %dma_start3A_77 = tpu.memref_slice %arg2[%dma_start3A_75, %dma_start3A_76] : memref<128x128xf32, #tpu.memory_space<hbm>> -> memref<128x128xf32, #tpu.memory_space<hbm>>
    tpu.enqueue_indirect_dma source(%dma_start3A_77 : memref<128x128xf32, #tpu.memory_space<hbm>>) target(%arg6 : memref<392x128xf32, #tpu.memory_space<vmem>>) offsets(%dma_start3A_74 : memref<392xi32, #tpu.memory_space<vmem>>) semaphore(%arg7 : memref<!tpu.dma_semaphore, #tpu.memory_space<semaphore_mem>>)
    %dma_wait3A_78 = arith.constant 2352 : i32
    %dma_wait3A_79 = tpu.memref_slice %arg5[%dma_wait3A_78] : memref<3136xi32, #tpu.memory_space<vmem>> -> memref<392xi32, #tpu.memory_space<vmem>>
    %dma_wait3A_80 = arith.constant 0 : i32
    %dma_wait3A_81 = arith.constant 0 : i32
    %dma_wait3A_82 = tpu.memref_slice %arg2[%dma_wait3A_80, %dma_wait3A_81] : memref<128x128xf32, #tpu.memory_space<hbm>> -> memref<128x128xf32, #tpu.memory_space<hbm>>
    tpu.wait_indirect_dma semaphore(%arg7 : memref<!tpu.dma_semaphore, #tpu.memory_space<semaphore_mem>>) src(%dma_wait3A_82 : memref<128x128xf32, #tpu.memory_space<hbm>>) dst(%arg6 : memref<392x128xf32, #tpu.memory_space<vmem>>)
    %add3A_83 = arith.constant 2352 : i32
    %add3A_84 = arith.addi %mul3A_2, %add3A_83 : i32
    "tpu.region"() ({
      %run_scoped3A = tpu.sem_alloc : memref<!tpu.dma_semaphore, #tpu.memory_space<semaphore_mem>>
      %dma_start3A_97 = arith.constant 0 : i32
      %dma_start3A_98 = tpu.memref_slice %arg4[%add3A_84, %dma_start3A_97] : memref<100352x128xf32, #tpu.memory_space<hbm>> -> memref<392x128xf32, #tpu.memory_space<hbm>>
      %dma_start3A_99 = arith.constant 0 : i32
      %dma_start3A_100 = tpu.memref_slice %arg4[%add3A_84, %dma_start3A_99] : memref<100352x128xf32, #tpu.memory_space<hbm>> -> memref<392x128xf32, #tpu.memory_space<hbm>>
      tpu.enqueue_dma source(%arg6 : memref<392x128xf32, #tpu.memory_space<vmem>>) target(%dma_start3A_100 : memref<392x128xf32, #tpu.memory_space<hbm>>) target_semaphore(%run_scoped3A : memref<!tpu.dma_semaphore, #tpu.memory_space<semaphore_mem>>)
      %dma_wait3A_101 = arith.constant 0 : i32
      %dma_wait3A_102 = tpu.memref_slice %arg4[%add3A_84, %dma_wait3A_101] : memref<100352x128xf32, #tpu.memory_space<hbm>> -> memref<392x128xf32, #tpu.memory_space<hbm>>
      %dma_wait3A_103 = arith.constant 0 : i32
      %dma_wait3A_104 = tpu.memref_slice %arg4[%add3A_84, %dma_wait3A_103] : memref<100352x128xf32, #tpu.memory_space<hbm>> -> memref<392x128xf32, #tpu.memory_space<hbm>>
      tpu.wait_dma2 semaphore(%run_scoped3A : memref<!tpu.dma_semaphore, #tpu.memory_space<semaphore_mem>>) src(%arg6 : memref<392x128xf32, #tpu.memory_space<vmem>>) dst(%dma_wait3A_104 : memref<392x128xf32, #tpu.memory_space<hbm>>)
      tpu.yield
    }) : () -> ()
    %dma_start3A_85 = arith.constant 2744 : i32
    %dma_start3A_86 = tpu.memref_slice %arg5[%dma_start3A_85] : memref<3136xi32, #tpu.memory_space<vmem>> -> memref<392xi32, #tpu.memory_space<vmem>>
    %dma_start3A_87 = arith.constant 0 : i32
    %dma_start3A_88 = arith.constant 0 : i32
    %dma_start3A_89 = tpu.memref_slice %arg2[%dma_start3A_87, %dma_start3A_88] : memref<128x128xf32, #tpu.memory_space<hbm>> -> memref<128x128xf32, #tpu.memory_space<hbm>>
    tpu.enqueue_indirect_dma source(%dma_start3A_89 : memref<128x128xf32, #tpu.memory_space<hbm>>) target(%arg6 : memref<392x128xf32, #tpu.memory_space<vmem>>) offsets(%dma_start3A_86 : memref<392xi32, #tpu.memory_space<vmem>>) semaphore(%arg7 : memref<!tpu.dma_semaphore, #tpu.memory_space<semaphore_mem>>)
    %dma_wait3A_90 = arith.constant 2744 : i32
    %dma_wait3A_91 = tpu.memref_slice %arg5[%dma_wait3A_90] : memref<3136xi32, #tpu.memory_space<vmem>> -> memref<392xi32, #tpu.memory_space<vmem>>
    %dma_wait3A_92 = arith.constant 0 : i32
    %dma_wait3A_93 = arith.constant 0 : i32
    %dma_wait3A_94 = tpu.memref_slice %arg2[%dma_wait3A_92, %dma_wait3A_93] : memref<128x128xf32, #tpu.memory_space<hbm>> -> memref<128x128xf32, #tpu.memory_space<hbm>>
    tpu.wait_indirect_dma semaphore(%arg7 : memref<!tpu.dma_semaphore, #tpu.memory_space<semaphore_mem>>) src(%dma_wait3A_94 : memref<128x128xf32, #tpu.memory_space<hbm>>) dst(%arg6 : memref<392x128xf32, #tpu.memory_space<vmem>>)
    %add3A_95 = arith.constant 2744 : i32
    %add3A_96 = arith.addi %mul3A_2, %add3A_95 : i32
    "tpu.region"() ({
      %run_scoped3A = tpu.sem_alloc : memref<!tpu.dma_semaphore, #tpu.memory_space<semaphore_mem>>
      %dma_start3A_97 = arith.constant 0 : i32
      %dma_start3A_98 = tpu.memref_slice %arg4[%add3A_96, %dma_start3A_97] : memref<100352x128xf32, #tpu.memory_space<hbm>> -> memref<392x128xf32, #tpu.memory_space<hbm>>
      %dma_start3A_99 = arith.constant 0 : i32
      %dma_start3A_100 = tpu.memref_slice %arg4[%add3A_96, %dma_start3A_99] : memref<100352x128xf32, #tpu.memory_space<hbm>> -> memref<392x128xf32, #tpu.memory_space<hbm>>
      tpu.enqueue_dma source(%arg6 : memref<392x128xf32, #tpu.memory_space<vmem>>) target(%dma_start3A_100 : memref<392x128xf32, #tpu.memory_space<hbm>>) target_semaphore(%run_scoped3A : memref<!tpu.dma_semaphore, #tpu.memory_space<semaphore_mem>>)
      %dma_wait3A_101 = arith.constant 0 : i32
      %dma_wait3A_102 = tpu.memref_slice %arg4[%add3A_96, %dma_wait3A_101] : memref<100352x128xf32, #tpu.memory_space<hbm>> -> memref<392x128xf32, #tpu.memory_space<hbm>>
      %dma_wait3A_103 = arith.constant 0 : i32
      %dma_wait3A_104 = tpu.memref_slice %arg4[%add3A_96, %dma_wait3A_103] : memref<100352x128xf32, #tpu.memory_space<hbm>> -> memref<392x128xf32, #tpu.memory_space<hbm>>
      tpu.wait_dma2 semaphore(%run_scoped3A : memref<!tpu.dma_semaphore, #tpu.memory_space<semaphore_mem>>) src(%arg6 : memref<392x128xf32, #tpu.memory_space<vmem>>) dst(%dma_wait3A_104 : memref<392x128xf32, #tpu.memory_space<hbm>>)
      tpu.yield
    }) : () -> ()
    return
  }
}

module attributes {stable_mosaic.version = 14 : i64} {
  func.func @_table_body(%arg0: memref<128x128xf32, #tpu.memory_space<vmem>>, %arg1: memref<128x128xf32, #tpu.memory_space<vmem>>, %arg2: memref<128x128xf32, #tpu.memory_space<vmem>>, %arg3: memref<128x128xf32, #tpu.memory_space<vmem>>, %arg4: memref<1x128xf32, #tpu.memory_space<vmem>>, %arg5: memref<128x128xf32, #tpu.memory_space<vmem>>) attributes {dimension_semantics = [], scalar_prefetch = 0 : i64, scratch_operands = 0 : i64, tpu.core_type = #tpu.core_type<tc>} {
    %get3A = arith.constant 0 : index
    %get3A_0 = arith.constant 0 : index
    %get3A_1 = vector.load %arg0[%get3A, %get3A_0] : memref<128x128xf32, #tpu.memory_space<vmem>>, vector<128x128xf32>
    %get3A_2 = arith.constant 0 : index
    %get3A_3 = arith.constant 0 : index
    %get3A_4 = vector.load %arg1[%get3A_2, %get3A_3] : memref<128x128xf32, #tpu.memory_space<vmem>>, vector<128x128xf32>
    %get3A_5 = arith.constant 0 : index
    %get3A_6 = arith.constant 0 : index
    %get3A_7 = vector.load %arg2[%get3A_5, %get3A_6] : memref<128x128xf32, #tpu.memory_space<vmem>>, vector<128x128xf32>
    %dot_general3A = arith.constant dense<0.000000e+00> : vector<128x128xf32>
    %dot_general3A_8 = tpu.matmul %get3A_4, %get3A_7, %dot_general3A {dimension_numbers = #tpu.dot_dimension_numbers<[1], [0], [0], [1], [0, 0, 1, 1], [], []>, transpose_lhs_hint = false} : vector<128x128xf32>, vector<128x128xf32>, vector<128x128xf32> -> vector<128x128xf32>
    %add3A = arith.addf %get3A_1, %dot_general3A_8 : vector<128x128xf32>
    %get3A_9 = arith.constant 0 : index
    %get3A_10 = arith.constant 0 : index
    %get3A_11 = vector.load %arg3[%get3A_9, %get3A_10] : memref<128x128xf32, #tpu.memory_space<vmem>>, vector<128x128xf32>
    %dot_general3A_12 = arith.constant dense<0.000000e+00> : vector<128x128xf32>
    %dot_general3A_13 = tpu.matmul %add3A, %get3A_11, %dot_general3A_12 {dimension_numbers = #tpu.dot_dimension_numbers<[1], [0], [0], [1], [0, 0, 1, 1], [], []>, transpose_lhs_hint = false} : vector<128x128xf32>, vector<128x128xf32>, vector<128x128xf32> -> vector<128x128xf32>
    %get3A_14 = arith.constant 0 : index
    %get3A_15 = arith.constant 0 : index
    %get3A_16 = vector.load %arg4[%get3A_14, %get3A_15] : memref<1x128xf32, #tpu.memory_space<vmem>>, vector<1x128xf32>
    %add3A_17 = vector.broadcast %get3A_16 : vector<1x128xf32> to vector<128x128xf32>
    %add3A_18 = arith.addf %dot_general3A_13, %add3A_17 : vector<128x128xf32>
    %logistic3A = arith.negf %add3A_18 : vector<128x128xf32>
    %logistic3A_19 = math.exp %logistic3A : vector<128x128xf32>
    %logistic3A_20 = arith.constant 1.000000e+00 : f32
    %logistic3A_21 = vector.broadcast %logistic3A_20 : f32 to vector<128x128xf32>
    %logistic3A_22 = arith.addf %logistic3A_21, %logistic3A_19 : vector<128x128xf32>
    %logistic3A_23 = arith.divf %logistic3A_21, %logistic3A_22 : vector<128x128xf32>
    %mul3A = arith.mulf %add3A_18, %logistic3A_23 : vector<128x128xf32>
    %swap3A = arith.constant 0 : index
    %swap3A_24 = arith.constant 0 : index
    %swap3A_25 = vector.load %arg5[%swap3A, %swap3A_24] : memref<128x128xf32, #tpu.memory_space<vmem>>, vector<128x128xf32>
    tpu.vector_store %arg5[%swap3A, %swap3A_24], %mul3A {strides = array<i32>} : memref<128x128xf32, #tpu.memory_space<vmem>>, vector<128x128xf32>,
    return
  }
}

</mosaic_0001>

<sc_bundles>
// kernel: kernel.4.cloned.1.call-start
scs
__scs_entry_jumppad:
0x0: {  	(pc) =	sbr.rel $0x88, $3  }
0x1: {  	(tag) =	ssettag $0x0;
	lr =	simm.s32 $0x1  }
0x2: {  	[smem:$0x3F9B] =	sst lr;
	_ =	strace $0xD0000000  }
0x3: {  	_ = 	snop  }
0x4: {  	_ = 	snop  }
0x5: {  	_ = 	snop  }
0x6: {  	_ = 	snop  }
0x7: {  	_ = 	snop  }
__scs_overlays_trampoline_lowered:
0x8: {  	[smem:$0x3FAA] =	sst s0  }
0x9: {  	[smem:$0x3FAB] =	sst s1  }
0xa: {  	[smem:$0x3FAC] =	sst s2  }
0xb: {  	[smem:$0x3FAD] =	sst s3  }
0xc: {  	[smem:$0x3FAE] =	sst s4  }
0xd: {  	[smem:$0x3FAF] =	sst s5  }
0xe: {  	[smem:$0x3FB0] =	sst s6  }
0xf: {  	[smem:$0x3FB1] =	sst s7  }
0x10: {  	[smem:$0x3FB2] =	sst s8  }
0x11: {  	[smem:$0x3FB3] =	sst s9;
	s0 =	simm.s32 @!p0 $0x0  }
0x12: {  	s1 =	sld [smem:$0x3F99];
	s0 =	simm.s32 @p0 $0x1  }
0x13: {  	[smem:$0x3FB4] =	sst s0;
	s0 =	simm.s32 @!p1 $0x0  }
0x14: {  	s2 =	sld [smem:$0x3F98];
	s0 =	simm.s32 @p1 $0x1  }
0x15: {  	[smem:$0x3FB5] =	sst s0;
	s0 =	simm.s32 @!p2 $0x0  }
0x16: {  	s3 =	sld [smem:$0x3FDB];
	s0 =	simm.s32 @p2 $0x1  }
0x17: {  	s4 =	simm.s32 $0x1BF5;
	[smem:$0x3FB7] =	sst s0  }
0x18: {  	s0 =	sld [smem:$0x3F9A];
	_ =	swait.ge [sflag:s4], $0x0  }
0x19: {  	s7 =	sld [smem:$0x3F9B]  }
0x1a: {  	s8 =	sadd.s32 $0xFFFFE003, lr  }
0x1b: {  	s9 =	sadd.s32 $0xFFFFFEF7, lr;
	s5 =	simm.s32 $0xFFFFFFFF;
	p2 =	slt.u32 s8, $0xFFFFF086  }
0x1c: {  	p1 =	slt.u32 s9, $0xF7A;
	s5 =	simm.s32 @!p2 $0x0  }
0x1d: {  	s5 =	simm.s32 @p1 $0x1;
	p0 =	seq.s32 s7, s2  }
0x1e: {  	s7 =	smul.u32 @!p0 $0xF7A, s2;
	p2 =	seq.s32 @!p0 s5, $0x0  }
0x1f: {  	s9 =	smul.u32 $0xF7A, s1;
	s8 =	simm.s32 @!p0 $0x1BF5;
	p2 =	por !p2, p0  }
0x20: {  	[sflag:s8] =	ssyncset.s32 @!p0 $0xFFFFF086;
	s6 =	sadd.s32 @!p0 s3, s7;
	s7 =	simm.s32 @!p0 $0x108  }
0x21: {  	s3 =	sadd.s32 s3, s9;
	s6 =	sadd.s32 @!p0 $0x88, s6;
	s7 =	simm.s32 @p2 $0x1082  }
0x22: {  	[simem:s7], [sflag:s8] =	dma.local @!p0 [hbm:s6], $0xF7A  }
0x23: {  	s9 =	sor.u32 $0xD0000000, s2;
	s6 =	simm.s32 $0x108;
	_ =	swait.ge @!p0 [sflag:s8], $0x0  }
0x24: {  	s3 =	sadd.s32 $0x88, s3;
	s6 =	simm.s32 @!p1 $0x1082;
	[sflag:s4] =	ssyncset.s32 $0xFFFFF086  }
0x25: {  	[simem:s6], [sflag:s4] =	dma.local [hbm:s3], $0xF7A  }
0x26: {  	[smem:$0x3F9B] =	sst s1;
	(tag) =	ssettag s2;
	_ =	strace s9  }
0x27: {  	s1 =	sld [smem:$0x3FAB]  }
0x28: {  	s2 =	sld [smem:$0x3FAC]  }
0x29: {  	s4 =	sld [smem:$0x3FAE]  }
0x2a: {  	p0 =	seq.s32 s5, $0x0;
	s5 =	sld [smem:$0x3FAF]  }
0x2b: {  	s6 =	sld [smem:$0x3FB0]  }
0x2c: {  	s7 =	sld [smem:$0x3FB1]  }
0x2d: {  	s3 =	simm.s32 $0x108;
	s8 =	sld [smem:$0x3FB2]  }
0x2e: {  	s3 =	simm.s32 @!p0 $0x1082;
	s9 =	sld [smem:$0x3FB3]  }
0x2f: {  	lr =	sadd.s32 s0, s3;
	s0 =	sld [smem:$0x3FAA]  }
0x30: {  	s3 =	sld [smem:$0x3FAD]  }
0x31: {  	[smem:$0x3FB6] =	sst s10  }
0x32: {  	s10 =	sld [smem:$0x3FB4];
	_ =	sdelay $0x3  }
0x33: {  	p0 =	seq.s32 s10, $0x1;
	s10 =	sld [smem:$0x3FB6];
	_ =	sdelay $0x3  }
0x34: {  	[smem:$0x3FB6] =	sst s10  }
0x35: {  	s10 =	sld [smem:$0x3FB5];
	_ =	sdelay $0x3  }
0x36: {  	p1 =	seq.s32 s10, $0x1;
	s10 =	sld [smem:$0x3FB6];
	_ =	sdelay $0x3  }
0x37: {  	[smem:$0x3FB6] =	sst s10  }
0x38: {  	s10 =	sld [smem:$0x3FB7]  }
0x39: {  	_ = 	snop;
	(pc) =	sbr.ind lr, $3  }
0x3a: {  	_ = 	snop  }
0x3b: {  	_ = 	snop  }
0x3c: {  	p2 =	seq.s32 s10, $0x1;
	s10 =	sld [smem:$0x3FB6]  }
0x3d: {  	_ =	shalt  }
0x3e: {  	_ =	shalt  }
0x3f: {  	_ =	shalt  }
0x40: {  	_ =	shalt  }
0x41: {  	_ =	shalt  }
0x42: {  	_ =	shalt  }
0x43: {  	_ =	shalt  }
0x44: {  	_ =	shalt  }
0x45: {  	_ =	shalt  }
0x46: {  	_ =	shalt  }
0x47: {  	_ =	shalt  }
0x48: {  	_ =	shalt  }
0x49: {  	_ =	shalt  }
0x4a: {  	_ =	shalt  }
0x4b: {  	_ =	shalt  }
0x4c: {  	_ =	shalt  }
0x4d: {  	_ =	shalt  }
0x4e: {  	_ =	shalt  }
0x4f: {  	_ =	shalt  }
0x50: {  	_ =	shalt  }
0x51: {  	_ =	shalt  }
0x52: {  	_ =	shalt  }
0x53: {  	_ =	shalt  }
0x54: {  	_ =	shalt  }
0x55: {  	_ =	shalt  }
0x56: {  	_ =	shalt  }
0x57: {  	_ =	shalt  }
0x58: {  	_ =	shalt  }
0x59: {  	_ =	shalt  }
0x5a: {  	_ =	shalt  }
0x5b: {  	_ =	shalt  }
0x5c: {  	_ =	shalt  }
0x5d: {  	_ =	shalt  }
0x5e: {  	_ =	shalt  }
0x5f: {  	_ =	shalt  }
0x60: {  	_ =	shalt  }
0x61: {  	_ =	shalt  }
0x62: {  	_ =	shalt  }
0x63: {  	_ =	shalt  }
0x64: {  	_ =	shalt  }
0x65: {  	_ =	shalt  }
0x66: {  	_ =	shalt  }
0x67: {  	_ =	shalt  }
0x68: {  	_ =	shalt  }
0x69: {  	_ =	shalt  }
0x6a: {  	_ =	shalt  }
0x6b: {  	_ =	shalt  }
0x6c: {  	_ =	shalt  }
0x6d: {  	_ =	shalt  }
0x6e: {  	_ =	shalt  }
0x6f: {  	_ =	shalt  }
0x70: {  	_ =	shalt  }
0x71: {  	_ =	shalt  }
0x72: {  	_ =	shalt  }
0x73: {  	_ =	shalt  }
0x74: {  	_ =	shalt  }
0x75: {  	_ =	shalt  }
0x76: {  	_ =	shalt  }
0x77: {  	_ =	shalt  }
0x78: {  	_ =	shalt  }
0x79: {  	_ =	shalt  }
0x7a: {  	_ =	shalt  }
0x7b: {  	_ =	shalt  }
0x7c: {  	_ =	shalt  }
0x7d: {  	_ =	shalt  }
0x7e: {  	_ =	shalt  }
0x7f: {  	_ =	shalt  }
0x80: {  	_ =	shalt  }
0x81: {  	_ =	shalt  }
0x82: {  	_ =	shalt  }
0x83: {  	_ =	shalt  }
0x84: {  	_ =	shalt  }
0x85: {  	_ =	shalt  }
0x86: {  	_ =	shalt  }
0x87: {  	_ =	shalt  }
.Lfunc_end0:
.L_simem_size_0:
called_computation_lowered:
.L_overlay_start_0:
0x88: {  	s2 =	sld [smem:$0x3FD9]  }
0x89: {  	s3 =	sld [smem:$0x3FFE];
	_ =	sdelay $0x1  }
0x8a: {  	s1 =	srdreg.scid  }
0x8b: {  	s0 =	sand.u32 $0x1, s1  }
0x8c: {  	s17 =	sshll.u32 s0, $0xA;
	s2 =	sadd.s32 s3, s2  }
0x8d: {  	s2 =	sadd.s32 s2, s17  }
0x8e: {  	[smem:$0x3FC2] =	sst s2  }
0x8f: {  	_ = 	snop  }
0x90: {  	s2 =	sld [smem:$0x3FD0];
	(tm) =	ssettm $0x1  }
0x91: {  	s18 =	sld [smem:$0x3FFB];
	_ =	sdelay $0x3  }
0x92: {  	_ =	strace s18  }
0x93: {  	s3 =	sld [smem:$0x3FFC];
	_ =	sdelay $0x3  }
0x94: {  	_ =	strace s3  }
0x95: {  	s3 =	sld [smem:$0x3FFD];
	_ =	sdelay $0x3  }
0x96: {  	_ =	strace s3  }
0x97: {  	_ =	strace $0x8FFFFFFF  }
0x98: {  	s19 =	sld [smem:$0x3FDB];
	_ =	sdelay $0x1  }
0x99: {  	s4 =	simm.s32 $_scs_section_size  }
0x9a: {  	s5 =	simm.s32 $_size__tile_overlayer_lowered;
	s6 =	simm.s32 $_tile_overlayer_lowered  }
0x9b: {  	s22 =	simm.s32 $0x1BFF;
	s21 =	sshll.u32 s6, $0x1;
	s3 =	sadd.s32 s4, s19  }
0x9c: {  	s7 =	simm.s32 $0x0;
	s20 =	sshll.u32 s5, $0x1;
	s5 =	sadd.s32 s21, s3  }
0x9d: {  	[timem:s7], [sflag:s22] =	dma.local [hbm:s5], s20  }
0x9e: {  	_ =	swait.ge [sflag:s22], s20  }
0x9f: {  	s4 =	ssub.s32 $0x0, s20;
	[sflag:s22] =	ssyncset.done $0x0  }
0xa0: {  	[sflag:s22] =	ssyncadd.s32 s4;
	_ =	sdelay $0x1  }
0xa1: {  	s23 =	simm.s32 $0x1B8B  }
0xa2: {  	_ =	swait.ge [sflag:s23], $0x1  }
0xa3: {  	[sflag:s23] =	ssyncset.done $0x0  }
0xa4: {  	s25 =	simm.s32 $0x1B8E;
	s24 =	sld [smem:$0x3FFE];
	[sflag:s23] =	ssyncadd.s32 $0xFFFFFFFF  }
0xa5: {  	s26 =	simm.s32 $execute0_lowered;
	[smem:$0x3FD2] =	sst s25  }
0xa6: {  	s5 =	sshll.u32 s26, $0x1;
	_ =	strace $0x80000046;
	[dreg:$0x1] =	wrdreg $0xFFFFFFFF  }
0xa7: {  	s28 =	simm.s32 $_size_execute0_lowered;
	s3 =	sadd.s32 s3, s5;
	[dreg:$0x0] =	wrdreg $0x0  }
0xa8: {  	s5 =	sshll.u32 s28, $0x1;
	[dreg:$0x2] =	wrdreg s3  }
0xa9: {  	[dreg:$0x3] =	wrdreg s5  }
0xaa: {  	[dreg:$0x4] =	wrdreg $0xC0  }
0xab: {  	_ =	task [dreg:s7], $0x5FFFF  }
0xac: {  	[dreg:$0x1] =	wrdreg $0xFFFFFFFF  }
0xad: {  	[dreg:$0x0] =	wrdreg $0x60  }
0xae: {  	[dreg:$0x2] =	wrdreg s24  }
0xaf: {  	[dreg:$0x3] =	wrdreg s2  }
0xb0: {  	[dreg:$0x4] =	wrdreg $0x9  }
0xb1: {  	_ =	task.clear_ibuf [dreg:s7], $0x5FFFF;
	_ =	strace $0x90000046  }
0xb2: {  	s29 =	simm.s32 $0x9;
	_ =	strace $0x80000048  }
0xb3: {  	_ =	swait.ge [sflag:s29], $0x1  }
0xb4: {  	[sflag:s29] =	ssyncadd.s32 $0xFFFFFFFF  }
0xb5: {  	_ =	strace $0x90000048  }
0xb6: {  	_ =	sfence  }
0xb7: {  	s30 =	sld [smem:$0x0];
	_ =	sdelay $0x2  }
0xb8: {  	s31 =	sshll.u32 s1, $0xD;
	s1 =	sshrl.u32 s1, $0x2  }
0xb9: {  	s3 =	sand.u32 $0x4000, s31;
	s1 =	sadd.s32 s1, s30  }
0xba: {  	s0 =	sor.u32 s3, s0;
	s1 =	sshll.u32 s1, $0x11  }
0xbb: {  	s0 =	sor.u32 s1, s0  }
0xbc: {  	s0 =	sadd.s32 $0x8F2B, s0  }
0xbd: {  	[sflag:s0] =	ssyncadd.remote.s32 $0x1  }
0xbe: {  	_ =	sfence.sel $0xFFFF  }
0xbf: {  	[dreg:$0x0] =	wrdreg $0xFFFFFFFF;
	(pc) =	sbr.abs _section_cstart, $3  }
0xc0: {  	[dreg:$0x1] =	wrdreg $0xFFFFFFFF  }
0xc1: {  	_ =	task.clear_ibuf [dreg:s7], $0x2FFFF;
	_ =	strace $0x9FFFFFFF  }
0xc2: {  	(tm) =	ssettm $0x7FFFFFFF  }
0xc3: {  	_ =	shalt  }
tec
execute0_lowered:
.L_overlay_start_1:
0x0: {  	(tag) =	ssettag $0x1  }
0x1: {  	s1 =	srdreg.scid;
	s0 =	stileid.u32  }
0x2: {  	s9 =	rddreg [dreg:$0x0];
	s21 =	sand.u32 $0x1, s1;
	s31 =	sshll.u32 s0, $0x1  }
0x3: {  	s3 =	rddreg [dreg:$0x1];
	s10 =	sor.u32 s21, s31  }
0x4: {  	s2 =	simm.s32 $0x0;
	s1 =	rddreg [dreg:$0x2];
	s4 =	smul.u32 $0x188, s10  }
0x5: {  	[smem:$0x7FF] =	sst s2  }
0x6: {  	_ =	strace $0x80000047;
	s4 =	sadd.s32 s3, s4;
	s3 =	simm.s32 $0x2  }
0x7: {  	[tilespmem:s2], [sflag:$0x2] =	stream.linear.gather [hbm4b:s4+s2], $0xC40, $0x38;
	[tilespmem:$0xD080] =	vst v63  }
0x8: {  	_ =	swait.ge [sflag:s3], $0xC40  }
0x9: {  	s6 =	simm.s32 $0x188;
	s7 =	simm.s32 $0xC80;
	[sflag:s3] =	ssyncset.done $0x0  }
0xa: {  	s8 =	simm.s32 $0x1;
	s5 =	sadd.s32 $0xA00, s9;
	[sflag:s3] =	ssyncadd.s32 $0xFFFFF3C0  }
0xb: {  	[tilespmem:s7], [sflag:$0x1] =	stream.indirect.gather [hbm4b:s5+s6], $0x80, s2, s6, $0xb8;
	[tilespmem:$0xD080] =	vst v63  }
0xc: {  	s11 =	smul.u32 $0xC400, s10;
	_ =	swait.ge [sflag:s8], $0xC400  }
0xd: {  	s12 =	sadd.s32 $0x1200, s9;
	[sflag:s8] =	ssyncset.done $0x0  }
0xe: {  	s9 =	sadd.s32 s12, s11;
	[sflag:s8] =	ssyncadd.s32 $0xFFFF3C00  }
0xf: {  	[hbm4b:s9+s2] =	stream.linear.scatter [tilespmem:s7], [sflag:$0x2], $0xC400, $0x38;
	[tilespmem:$0xD080] =	vst v63  }
0x10: {  	_ =	swait.ge [sflag:s3], $0xC400  }
0x11: {  	[sflag:s3] =	ssyncset.done $0x0  }
0x12: {  	s10 =	smul.u32 $0x62000, s10;
	[sflag:s3] =	ssyncadd.s32 $0xFFFF3C00  }
0x13: {  	[tilespmem:s7], [sflag:$0x1] =	stream.indirect.gather [hbm4b:s5+s6], $0x80, s6, s6, $0xb8;
	[tilespmem:$0xD080] =	vst v63  }
0x14: {  	s10 =	sshrl.u32 s10, $0x3;
	_ =	swait.ge [sflag:s8], $0xC400  }
0x15: {  	s22 =	sadd.s32 s12, s10;
	[sflag:s8] =	ssyncset.done $0x0  }
0x16: {  	s10 =	sadd.s32 $0x1880, s22;
	[sflag:s8] =	ssyncadd.s32 $0xFFFF3C00  }
0x17: {  	[hbm4b:s10+s2] =	stream.linear.scatter [tilespmem:s7], [sflag:$0x2], $0xC400, $0x38;
	[tilespmem:$0xD080] =	vst v63  }
0x18: {  	_ =	swait.ge [sflag:s3], $0xC400  }
0x19: {  	[sflag:s3] =	ssyncset.done $0x0  }
0x1a: {  	s11 =	simm.s32 $0x310;
	[sflag:s3] =	ssyncadd.s32 $0xFFFF3C00  }
0x1b: {  	[tilespmem:s7], [sflag:$0x1] =	stream.indirect.gather [hbm4b:s5+s6], $0x80, s11, s6, $0xb8;
	[tilespmem:$0xD080] =	vst v63  }
0x1c: {  	_ =	swait.ge [sflag:s8], $0xC400  }
0x1d: {  	[sflag:s8] =	ssyncset.done $0x0  }
0x1e: {  	s12 =	sadd.s32 $0x3100, s22;
	[sflag:s8] =	ssyncadd.s32 $0xFFFF3C00  }
0x1f: {  	[hbm4b:s12+s2] =	stream.linear.scatter [tilespmem:s7], [sflag:$0x2], $0xC400, $0x38;
	[tilespmem:$0xD080] =	vst v63  }
0x20: {  	_ =	swait.ge [sflag:s3], $0xC400  }
0x21: {  	[sflag:s3] =	ssyncset.done $0x0  }
0x22: {  	s13 =	simm.s32 $0x498;
	[sflag:s3] =	ssyncadd.s32 $0xFFFF3C00  }
0x23: {  	[tilespmem:s7], [sflag:$0x1] =	stream.indirect.gather [hbm4b:s5+s6], $0x80, s13, s6, $0xb8;
	[tilespmem:$0xD080] =	vst v63  }
0x24: {  	_ =	swait.ge [sflag:s8], $0xC400  }
0x25: {  	[sflag:s8] =	ssyncset.done $0x0  }
0x26: {  	s14 =	sadd.s32 $0x4980, s22;
	[sflag:s8] =	ssyncadd.s32 $0xFFFF3C00  }
0x27: {  	[hbm4b:s14+s2] =	stream.linear.scatter [tilespmem:s7], [sflag:$0x2], $0xC400, $0x38;
	[tilespmem:$0xD080] =	vst v63  }
0x28: {  	_ =	swait.ge [sflag:s3], $0xC400  }
0x29: {  	[sflag:s3] =	ssyncset.done $0x0  }
0x2a: {  	s15 =	simm.s32 $0x620;
	[sflag:s3] =	ssyncadd.s32 $0xFFFF3C00  }
0x2b: {  	[tilespmem:s7], [sflag:$0x1] =	stream.indirect.gather [hbm4b:s5+s6], $0x80, s15, s6, $0xb8;
	[tilespmem:$0xD080] =	vst v63  }
0x2c: {  	_ =	swait.ge [sflag:s8], $0xC400  }
0x2d: {  	[sflag:s8] =	ssyncset.done $0x0  }
0x2e: {  	s16 =	sadd.s32 $0x6200, s22;
	[sflag:s8] =	ssyncadd.s32 $0xFFFF3C00  }
0x2f: {  	[hbm4b:s16+s2] =	stream.linear.scatter [tilespmem:s7], [sflag:$0x2], $0xC400, $0x38;
	[tilespmem:$0xD080] =	vst v63  }
0x30: {  	_ =	swait.ge [sflag:s3], $0xC400  }
0x31: {  	[sflag:s3] =	ssyncset.done $0x0  }
0x32: {  	s17 =	simm.s32 $0x7A8;
	[sflag:s3] =	ssyncadd.s32 $0xFFFF3C00  }
0x33: {  	[tilespmem:s7], [sflag:$0x1] =	stream.indirect.gather [hbm4b:s5+s6], $0x80, s17, s6, $0xb8;
	[tilespmem:$0xD080] =	vst v63  }
0x34: {  	_ =	swait.ge [sflag:s8], $0xC400  }
0x35: {  	[sflag:s8] =	ssyncset.done $0x0  }
0x36: {  	s18 =	sadd.s32 $0x7A80, s22;
	[sflag:s8] =	ssyncadd.s32 $0xFFFF3C00  }
0x37: {  	[hbm4b:s18+s2] =	stream.linear.scatter [tilespmem:s7], [sflag:$0x2], $0xC400, $0x38;
	[tilespmem:$0xD080] =	vst v63  }
0x38: {  	_ =	swait.ge [sflag:s3], $0xC400  }
0x39: {  	[sflag:s3] =	ssyncset.done $0x0  }
0x3a: {  	s19 =	simm.s32 $0x930;
	[sflag:s3] =	ssyncadd.s32 $0xFFFF3C00  }
0x3b: {  	[tilespmem:s7], [sflag:$0x1] =	stream.indirect.gather [hbm4b:s5+s6], $0x80, s19, s6, $0xb8;
	[tilespmem:$0xD080] =	vst v63  }
0x3c: {  	_ =	swait.ge [sflag:s8], $0xC400  }
0x3d: {  	[sflag:s8] =	ssyncset.done $0x0  }
0x3e: {  	s23 =	ssub.s32 $0x2, s21;
	s20 =	sadd.s32 $0x9300, s22;
	[sflag:s8] =	ssyncadd.s32 $0xFFFF3C00  }
0x3f: {  	[hbm4b:s20+s2] =	stream.linear.scatter [tilespmem:s7], [sflag:$0x2], $0xC400, $0x38;
	[tilespmem:$0xD080] =	vst v63  }
0x40: {  	s24 =	sshrl.u32 s23, $0x1;
	_ =	swait.ge [sflag:s3], $0xC400  }
0x41: {  	s23 =	ssub.s32 s23, s24;
	[sflag:s3] =	ssyncset.done $0x0  }
0x42: {  	s21 =	simm.s32 $0xAB8;
	s23 =	smax.u32 s23, $0x1;
	[sflag:s3] =	ssyncadd.s32 $0xFFFF3C00  }
0x43: {  	[tilespmem:s7], [sflag:$0x1] =	stream.indirect.gather [hbm4b:s5+s6], $0x80, s21, s6, $0xb8;
	[tilespmem:$0xD080] =	vst v63  }
0x44: {  	p0 =	sne.s32 s23, $0x1;
	_ =	swait.ge [sflag:s8], $0xC400  }
.Ltmp0:
0x45: {  	[sflag:s8] =	ssyncset.done $0x0;
	(pc) =	sbr.rel @!p0 .LBB2_2-.Ltmp0, $4  }
0x46: {  	s22 =	sadd.s32 $0xAB80, s22;
	[sflag:s8] =	ssyncadd.s32 $0xFFFF3C00  }
0x47: {  	[hbm4b:s22+s2] =	stream.linear.scatter [tilespmem:s7], [sflag:$0x2], $0xC400, $0x38;
	[tilespmem:$0xD080] =	vst v63  }
0x48: {  	_ =	swait.ge [sflag:s3], $0xC400  }
0x49: {  	s23 =	sadd.s32 $0xFFFFFFFF, s23;
	[sflag:s3] =	ssyncset.done $0x0  }
.LBB2_1:
0x4a: {  	p0 =	sne.s32 s23, $0x1;
	s23 =	sadd.s32 $0xFFFFFFFF, s23;
	[sflag:s3] =	ssyncadd.s32 $0xFFFF3C00  }
0x4b: {  	[tilespmem:s2], [sflag:$0x2] =	stream.linear.gather [hbm4b:s4+s2], $0xC40, $0x38;
	[tilespmem:$0xD080] =	vst v63  }
0x4c: {  	_ =	swait.ge [sflag:s3], $0xC40  }
0x4d: {  	[sflag:s3] =	ssyncset.done $0x0  }
0x4e: {  	[sflag:s3] =	ssyncadd.s32 $0xFFFFF3C0  }
0x4f: {  	[tilespmem:s7], [sflag:$0x1] =	stream.indirect.gather [hbm4b:s5+s6], $0x80, s2, s6, $0xb8;
	[tilespmem:$0xD080] =	vst v63  }
0x50: {  	_ =	swait.ge [sflag:s8], $0xC400  }
0x51: {  	[sflag:s8] =	ssyncset.done $0x0  }
0x52: {  	[sflag:s8] =	ssyncadd.s32 $0xFFFF3C00  }
0x53: {  	[hbm4b:s9+s2] =	stream.linear.scatter [tilespmem:s7], [sflag:$0x2], $0xC400, $0x38;
	[tilespmem:$0xD080] =	vst v63  }
0x54: {  	_ =	swait.ge [sflag:s3], $0xC400  }
0x55: {  	[sflag:s3] =	ssyncset.done $0x0  }
0x56: {  	[sflag:s3] =	ssyncadd.s32 $0xFFFF3C00  }
0x57: {  	[tilespmem:s7], [sflag:$0x1] =	stream.indirect.gather [hbm4b:s5+s6], $0x80, s6, s6, $0xb8;
	[tilespmem:$0xD080] =	vst v63  }
0x58: {  	_ =	swait.ge [sflag:s8], $0xC400  }
0x59: {  	[sflag:s8] =	ssyncset.done $0x0  }
0x5a: {  	[sflag:s8] =	ssyncadd.s32 $0xFFFF3C00  }
0x5b: {  	[hbm4b:s10+s2] =	stream.linear.scatter [tilespmem:s7], [sflag:$0x2], $0xC400, $0x38;
	[tilespmem:$0xD080] =	vst v63  }
0x5c: {  	_ =	swait.ge [sflag:s3], $0xC400  }
0x5d: {  	[sflag:s3] =	ssyncset.done $0x0  }
0x5e: {  	[sflag:s3] =	ssyncadd.s32 $0xFFFF3C00  }
0x5f: {  	[tilespmem:s7], [sflag:$0x1] =	stream.indirect.gather [hbm4b:s5+s6], $0x80, s11, s6, $0xb8;
	[tilespmem:$0xD080] =	vst v63  }
0x60: {  	_ =	swait.ge [sflag:s8], $0xC400  }
0x61: {  	[sflag:s8] =	ssyncset.done $0x0  }
0x62: {  	[sflag:s8] =	ssyncadd.s32 $0xFFFF3C00  }
0x63: {  	[hbm4b:s12+s2] =	stream.linear.scatter [tilespmem:s7], [sflag:$0x2], $0xC400, $0x38;
	[tilespmem:$0xD080] =	vst v63  }
0x64: {  	_ =	swait.ge [sflag:s3], $0xC400  }
0x65: {  	[sflag:s3] =	ssyncset.done $0x0  }
0x66: {  	[sflag:s3] =	ssyncadd.s32 $0xFFFF3C00  }
0x67: {  	[tilespmem:s7], [sflag:$0x1] =	stream.indirect.gather [hbm4b:s5+s6], $0x80, s13, s6, $0xb8;
	[tilespmem:$0xD080] =	vst v63  }
0x68: {  	_ =	swait.ge [sflag:s8], $0xC400  }
0x69: {  	[sflag:s8] =	ssyncset.done $0x0  }
0x6a: {  	[sflag:s8] =	ssyncadd.s32 $0xFFFF3C00  }
0x6b: {  	[hbm4b:s14+s2] =	stream.linear.scatter [tilespmem:s7], [sflag:$0x2], $0xC400, $0x38;
	[tilespmem:$0xD080] =	vst v63  }
0x6c: {  	_ =	swait.ge [sflag:s3], $0xC400  }
0x6d: {  	[sflag:s3] =	ssyncset.done $0x0  }
0x6e: {  	[sflag:s3] =	ssyncadd.s32 $0xFFFF3C00  }
0x6f: {  	[tilespmem:s7], [sflag:$0x1] =	stream.indirect.gather [hbm4b:s5+s6], $0x80, s15, s6, $0xb8;
	[tilespmem:$0xD080] =	vst v63  }
0x70: {  	_ =	swait.ge [sflag:s8], $0xC400  }
0x71: {  	[sflag:s8] =	ssyncset.done $0x0  }
0x72: {  	[sflag:s8] =	ssyncadd.s32 $0xFFFF3C00  }
0x73: {  	[hbm4b:s16+s2] =	stream.linear.scatter [tilespmem:s7], [sflag:$0x2], $0xC400, $0x38;
	[tilespmem:$0xD080] =	vst v63  }
0x74: {  	_ =	swait.ge [sflag:s3], $0xC400  }
0x75: {  	[sflag:s3] =	ssyncset.done $0x0  }
0x76: {  	[sflag:s3] =	ssyncadd.s32 $0xFFFF3C00  }
0x77: {  	[tilespmem:s7], [sflag:$0x1] =	stream.indirect.gather [hbm4b:s5+s6], $0x80, s17, s6, $0xb8;
	[tilespmem:$0xD080] =	vst v63  }
0x78: {  	_ =	swait.ge [sflag:s8], $0xC400  }
0x79: {  	[sflag:s8] =	ssyncset.done $0x0  }
0x7a: {  	[sflag:s8] =	ssyncadd.s32 $0xFFFF3C00  }
0x7b: {  	[hbm4b:s18+s2] =	stream.linear.scatter [tilespmem:s7], [sflag:$0x2], $0xC400, $0x38;
	[tilespmem:$0xD080] =	vst v63  }
0x7c: {  	_ =	swait.ge [sflag:s3], $0xC400  }
0x7d: {  	[sflag:s3] =	ssyncset.done $0x0  }
0x7e: {  	[sflag:s3] =	ssyncadd.s32 $0xFFFF3C00  }
0x7f: {  	[tilespmem:s7], [sflag:$0x1] =	stream.indirect.gather [hbm4b:s5+s6], $0x80, s19, s6, $0xb8;
	[tilespmem:$0xD080] =	vst v63  }
0x80: {  	_ =	swait.ge [sflag:s8], $0xC400  }
0x81: {  	[sflag:s8] =	ssyncset.done $0x0  }
0x82: {  	[sflag:s8] =	ssyncadd.s32 $0xFFFF3C00  }
0x83: {  	[hbm4b:s20+s2] =	stream.linear.scatter [tilespmem:s7], [sflag:$0x2], $0xC400, $0x38;
	[tilespmem:$0xD080] =	vst v63  }
0x84: {  	_ =	swait.ge [sflag:s3], $0xC400  }
0x85: {  	[sflag:s3] =	ssyncset.done $0x0  }
0x86: {  	[sflag:s3] =	ssyncadd.s32 $0xFFFF3C00  }
0x87: {  	[tilespmem:s7], [sflag:$0x1] =	stream.indirect.gather [hbm4b:s5+s6], $0x80, s21, s6, $0xb8;
	[tilespmem:$0xD080] =	vst v63  }
0x88: {  	_ =	swait.ge [sflag:s8], $0xC400  }
.Ltmp1:
0x89: {  	[sflag:s8] =	ssyncset.done $0x0;
	(pc) =	sbr.rel @p0 .LBB2_1-.Ltmp1, $4  }
0x8a: {  	[sflag:s8] =	ssyncadd.s32 $0xFFFF3C00  }
0x8b: {  	[hbm4b:s22+s2] =	stream.linear.scatter [tilespmem:s7], [sflag:$0x2], $0xC400, $0x38;
	[tilespmem:$0xD080] =	vst v63  }
0x8c: {  	_ =	swait.ge [sflag:s3], $0xC400  }
0x8d: {  	[sflag:s3] =	ssyncset.done $0x0  }
.LBB2_2:
0x8e: {  	[sflag:s3] =	ssyncadd.s32 $0xFFFF3C00  }
0x8f: {  	_ =	sfence.sel $0x180000  }
0x90: {  	[bflag:$0x0] =	sbarrier.arrive $0xFFFF  }
0x91: {  	p0 =	sne.s32 s0, $0x0;
	_ =	strace $0x90000047  }
0x92: {  	s0 =	sadd.s32 @!p0 $0x100000, s1;
	[bflag:$0x2] =	sbarrier.arrive $0xFFFF  }
0x93: {  	[sflag:s0] =	ssyncadd.tile.s32 @!p0 $0x1;
	_ =	shalt  }
.Lfunc_end2:
_tile_overlayer_lowered:
.L_overlay_start_2:
0x94: {  	(tag) =	ssettag $0x2  }
0x95: {  	s0 =	rddreg [dreg:$0x0];
	s2 =	stileid.u32  }
0x96: {  	s1 =	rddreg [dreg:$0x1];
	p0 =	sne.s32 s2, $0x0  }
0x97: {  	s3 =	rddreg [dreg:$0x2];
	[bflag:$0x3] =	sbarrier.arrive $0xFFFF;
	s2 =	simm.s32 @!p0 $0x1C02  }
0x98: {  	[timem:s3], [sflag:s2] =	dma.local @!p0 [hbm:s0], s1  }
0x99: {  	s0 =	simm.s32 @!p0 $0x2  }
0x9a: {  	_ =	swait.ge @!p0 [sflag:s0], s1  }
0x9b: {  	s1 =	ssub.s32 @!p0 $0x0, s1;
	[sflag:s0] =	ssyncset.done @!p0 $0x0  }
0x9c: {  	[sflag:s0] =	ssyncadd.s32 @!p0 s1  }
0x9d: {  	[bflag:$0x3] =	sbarrier.arrive $0xFFFF  }
0x9e: {  	_ =	shalt  }

</sc_bundles>
